<compile_context>
chip_gen: v7x
topology: tpu7x:2x2x1
jax: 0.10.2.dev20260603
libtpu: 0.0.44.dev20260713+nightly
codegen_flags: <defaults>
</compile_context>

<pallas_src>
import jax
import jax.numpy as jnp
import numpy as np
from jax.experimental import pallas as pl
from jax.experimental.pallas import tpu as pltpu

E = 8
C1 = 96
C2 = 192
B = 32
OH = OW = 28
NPOS = OH * OW
KTAPS = 9
AROWS = KTAPS * C1
LN_EPS = 1e-6


def _moe_kernel(planes_ref, wmat_ref, b_ref, g_ref, beta_ref, wg_ref,
                out_ref, loss_ref, acc_ref):
    i = pl.program_id(0)
    nimg = pl.num_programs(0)

    planes = planes_ref[0]
    pee = planes[0]
    peo = planes[1]
    poe = planes[2]
    poo = planes[3]

    col = jax.lax.broadcasted_iota(jnp.int32, (C1, NPOS), 1)
    cmask = (col % OW) != 0

    def shift_r(v):
        return jnp.concatenate(
            [jnp.zeros((C1, OW), jnp.float32), v[:, :NPOS - OW]], axis=1)

    def shift_c(v):
        s = jnp.concatenate(
            [jnp.zeros((C1, 1), jnp.float32), v[:, :NPOS - 1]], axis=1)
        return jnp.where(cmask, s, 0.0)

    a_mat = jnp.concatenate([
        shift_c(shift_r(poo)),
        shift_r(poe),
        shift_r(poo),
        shift_c(peo),
        pee,
        peo,
        shift_c(poo),
        poe,
        poo,
    ], axis=0)

    psum = (pee + peo + poe + poo).sum(axis=1, keepdims=True)
    gate_x = psum * np.float32(1.0 / (4.0 * NPOS))
    logits = (gate_x * wg_ref[...]).sum(axis=0, keepdims=True)
    eidx = jax.lax.broadcasted_iota(jnp.int32, (1, E), 1)
    neg_inf = jnp.float32(-jnp.inf)

    m1 = jnp.max(logits, axis=1, keepdims=True)
    a1 = jnp.min(jnp.where(logits == m1, eidx, E), axis=1, keepdims=True)
    l2 = jnp.where(eidx == a1, neg_inf, logits)
    m2 = jnp.max(l2, axis=1, keepdims=True)
    a2 = jnp.min(jnp.where(l2 == m2, eidx, E), axis=1, keepdims=True)

    d = jnp.exp(m2 - m1)
    g1 = 1.0 / (1.0 + d)
    g2 = d / (1.0 + d)

    gates_vec = (jnp.where(eidx == a1, g1, 0.0)
                 + jnp.where(eidx == a2, g2, 0.0))
    load_vec = ((eidx == a1).astype(jnp.float32)
                + (eidx == a2).astype(jnp.float32))

    @pl.when(i == 0)
    def _():
        acc_ref[...] = jnp.zeros_like(acc_ref)

    acc_ref[0:1, :] += gates_vec
    acc_ref[1:2, :] += load_vec

    @pl.when(i == nimg - 1)
    def _():
        def cv_sq(v):
            m = v.mean(axis=1, keepdims=True)
            var = ((v - m) ** 2).sum(axis=1, keepdims=True) / (E - 1)
            return var / (m * m + 1e-10)

        imp = acc_ref[0:1, :]
        load = acc_ref[1:2, :]
        loss_ref[...] = (cv_sq(imp) + cv_sq(load)) * 1e-2

    a_bf = a_mat.astype(jnp.bfloat16)

    def conv_ln(e_scalar, gate):
        w = wmat_ref[pl.ds(e_scalar, 1)][0]
        y = jnp.dot(w, a_bf, preferred_element_type=jnp.float32)
        y = y + b_ref[pl.ds(e_scalar, 1)][0][:, :1]
        u = y.mean(axis=0, keepdims=True)
        yc = y - u
        s2 = (yc * yc).mean(axis=0, keepdims=True)
        yn = yc * jax.lax.rsqrt(s2 + LN_EPS)
        yn = (g_ref[pl.ds(e_scalar, 1)][0][:, :1] * yn
              + beta_ref[pl.ds(e_scalar, 1)][0][:, :1])
        return gate * yn

    e1 = a1[0, 0]
    e2 = a2[0, 0]
    out = conv_ln(e1, g1)
    out += conv_ln(e2, g2)
    out += conv_ln(E, jnp.float32(1.0))
    out_ref[0] = out


@jax.jit
def kernel(x, expert_conv_w, expert_conv_b, expert_ln_w, expert_ln_b,
           shared_conv_w, shared_conv_b, shared_ln_w, shared_ln_b, w_gate):
    n = x.shape[0]

    xr = x.reshape(n, C1, OH, 2, OW, 2)
    planes = xr.transpose(0, 3, 5, 1, 2, 4).reshape(n, 4, C1, NPOS)

    w_all = jnp.concatenate([expert_conv_w, shared_conv_w[None]], axis=0)
    wmat = w_all.transpose(0, 1, 3, 4, 2).reshape(E + 1, C2, AROWS)
    wmat = wmat.astype(jnp.bfloat16)
    b_all = jnp.concatenate([expert_conv_b, shared_conv_b[None]], axis=0)
    g_all = jnp.concatenate([expert_ln_w, shared_ln_w[None]], axis=0)
    beta_all = jnp.concatenate([expert_ln_b, shared_ln_b[None]], axis=0)
    b_col = jnp.broadcast_to(b_all[:, :, None], (E + 1, C2, 128))
    g_col = jnp.broadcast_to(g_all[:, :, None], (E + 1, C2, 128))
    beta_col = jnp.broadcast_to(beta_all[:, :, None], (E + 1, C2, 128))

    out, loss = pl.pallas_call(
        _moe_kernel,
        grid=(n,),
        in_specs=[
            pl.BlockSpec((1, 4, C1, NPOS), lambda i: (i, 0, 0, 0)),
            pl.BlockSpec((E + 1, C2, AROWS), lambda i: (0, 0, 0)),
            pl.BlockSpec((E + 1, C2, 128), lambda i: (0, 0, 0)),
            pl.BlockSpec((E + 1, C2, 128), lambda i: (0, 0, 0)),
            pl.BlockSpec((E + 1, C2, 128), lambda i: (0, 0, 0)),
            pl.BlockSpec((C1, E), lambda i: (0, 0)),
        ],
        out_specs=[
            pl.BlockSpec((1, C2, NPOS), lambda i: (i, 0, 0)),
            pl.BlockSpec((1, 1), lambda i: (0, 0)),
        ],
        out_shape=[
            jax.ShapeDtypeStruct((n, C2, NPOS), jnp.float32),
            jax.ShapeDtypeStruct((1, 1), jnp.float32),
        ],
        scratch_shapes=[pltpu.VMEM((2, E), jnp.float32)],
    )(planes, wmat, b_col, g_col, beta_col, w_gate)

    return out.reshape(n, C2, OH, OW), loss[0, 0]

# --- scband reference (transcript-rebuilt; emitter-appended) ---
"""Pipeline reference for scband-mo-e-lora-new-88424786690149 (READ-ONLY COPY).

The authoritative reference and input builder live on the scoring server;
editing this copy changes nothing except your own understanding.
"""

import jax, jax.numpy as jnp
import numpy as np

E = 8
K = 2
C1 = 96
C2 = 192
P = 3
S = 2
PAD = 1
B = 32
H = 56
W = 56


def _conv_ln(x, w, b, g, beta, eps=1e-6):
    y = jax.lax.conv_general_dilated(
        x, w, window_strides=(S, S), padding=[(PAD, PAD), (PAD, PAD)],
        dimension_numbers=('NCHW', 'OIHW', 'NCHW'))
    y = y + b[None, :, None, None]
    u = y.mean(axis=1, keepdims=True)
    s = ((y - u) ** 2).mean(axis=1, keepdims=True)
    y = (y - u) / jnp.sqrt(s + eps)
    return g[None, :, None, None] * y + beta[None, :, None, None]


def _cv_squared(v):
    eps = 1e-10
    return jnp.var(v, ddof=1) / (jnp.mean(v) ** 2 + eps)


def setup_inputs(seed: int = 0) -> dict:
    key = jax.random.key(seed)
    ks = jax.random.split(key, 8)
    x = jax.random.normal(ks[0], (B, C1, H, W), dtype=jnp.float32)
    expert_conv_w = jax.random.normal(ks[1], (E, C2, C1, P, P), dtype=jnp.float32) * 0.05
    expert_conv_b = jax.random.normal(ks[2], (E, C2), dtype=jnp.float32) * 0.05
    expert_ln_w = jnp.ones((E, C2), dtype=jnp.float32)
    expert_ln_b = jnp.zeros((E, C2), dtype=jnp.float32)
    shared_conv_w = jax.random.normal(ks[3], (C2, C1, P, P), dtype=jnp.float32) * 0.05
    shared_conv_b = jax.random.normal(ks[4], (C2,), dtype=jnp.float32) * 0.05
    shared_ln_w = jnp.ones((C2,), dtype=jnp.float32)
    shared_ln_b = jnp.zeros((C2,), dtype=jnp.float32)
    w_gate = jax.random.normal(ks[5], (C1, E), dtype=jnp.float32) * 0.1
    return {
        'x': x,
        'expert_conv_w': expert_conv_w,
        'expert_conv_b': expert_conv_b,
        'expert_ln_w': expert_ln_w,
        'expert_ln_b': expert_ln_b,
        'shared_conv_w': shared_conv_w,
        'shared_conv_b': shared_conv_b,
        'shared_ln_w': shared_ln_w,
        'shared_ln_b': shared_ln_b,
        'w_gate': w_gate,
    }


def reference(x, expert_conv_w, expert_conv_b, expert_ln_w, expert_ln_b,
              shared_conv_w, shared_conv_b, shared_ln_w, shared_ln_b, w_gate):
    n = x.shape[0]
    # clean (non-noisy) top-k gating: gate on channel-pooled features
    gate_x = x.mean(axis=(2, 3))            # [B, C1] == [B, width]
    logits = gate_x @ w_gate                # [B, E]
    top_logits, top_idx = jax.lax.top_k(logits, K)
    top_gates = jax.nn.softmax(top_logits, axis=1)
    gates = jnp.zeros((n, E), dtype=logits.dtype).at[
        jnp.arange(n)[:, None], top_idx].set(top_gates)
    importance = gates.sum(axis=0)
    load = (gates > 0).sum(axis=0).astype(jnp.float32)
    loss = (_cv_squared(importance) + _cv_squared(load)) * 1e-2
    # dispatch/combine, expressed densely (gates are zero for unselected experts,
    # so this is mathematically identical to SparseDispatcher dispatch+combine)
    out = None
    for e in range(E):
        y_e = _conv_ln(x, expert_conv_w[e], expert_conv_b[e],
                       expert_ln_w[e], expert_ln_b[e])
        contrib = gates[:, e][:, None, None, None] * y_e
        out = contrib if out is None else out + contrib
    shared = _conv_ln(x, shared_conv_w, shared_conv_b, shared_ln_w, shared_ln_b)
    y = out + shared
    return y, loss

if __name__ == "__main__":
    import jax
    _d = setup_inputs()
    print(jax.jit(kernel)(*tuple(_d.values())))

</pallas_src>

<mosaic_0001>
module attributes {stable_mosaic.version = 14 : i64} {
  func.func @_moe_kernel(%arg0: i32, %arg1: memref<1x4x96x784xf32, #tpu.memory_space<vmem>>, %arg2: memref<9x192x864xbf16, #tpu.memory_space<vmem>>, %arg3: memref<9x192x128xf32, #tpu.memory_space<vmem>>, %arg4: memref<9x192x128xf32, #tpu.memory_space<vmem>>, %arg5: memref<9x192x128xf32, #tpu.memory_space<vmem>>, %arg6: memref<96x8xf32, #tpu.memory_space<vmem>>, %arg7: memref<1x192x784xf32, #tpu.memory_space<vmem>>, %arg8: memref<1x1xf32, #tpu.memory_space<vmem>>, %arg9: memref<2x8xf32, #tpu.memory_space<vmem>>) attributes {dimension_semantics = [#tpu.dimension_semantics<arbitrary>], iteration_bounds = array<i64: 32>, scalar_prefetch = 0 : i64, scratch_operands = 1 : i64, tpu.core_type = #tpu.core_type<tc>, window_params = [{transform_indices = @transform_0, window_bounds = array<i64: 1, 4, 96, 784>}, {pipeline_mode = #tpu.pipeline_mode<synchronous>, transform_indices = @transform_1, window_bounds = array<i64: 9, 192, 864>}, {pipeline_mode = #tpu.pipeline_mode<synchronous>, transform_indices = @transform_2, window_bounds = array<i64: 9, 192, 128>}, {pipeline_mode = #tpu.pipeline_mode<synchronous>, transform_indices = @transform_3, window_bounds = array<i64: 9, 192, 128>}, {pipeline_mode = #tpu.pipeline_mode<synchronous>, transform_indices = @transform_4, window_bounds = array<i64: 9, 192, 128>}, {pipeline_mode = #tpu.pipeline_mode<synchronous>, transform_indices = @transform_5, window_bounds = array<i64: 96, 8>}, {transform_indices = @transform_6, window_bounds = array<i64: 1, 192, 784>}, {pipeline_mode = #tpu.pipeline_mode<synchronous>, transform_indices = @transform_7, window_bounds = array<i64: 1, 1>}]} {
    %get3A = arith.constant 0 : index
    %get3A_0 = arith.constant 0 : index
    %get3A_1 = arith.constant 0 : index
    %get3A_2 = arith.constant 0 : index
    %get3A_3 = vector.load %arg1[%get3A, %get3A_0, %get3A_1, %get3A_2] : memref<1x4x96x784xf32, #tpu.memory_space<vmem>>, vector<1x4x96x784xf32>
    %get3A_4 = vector.shape_cast %get3A_3 : vector<1x4x96x784xf32> to vector<4x96x784xf32>
    %slice3A = vector.extract_strided_slice %get3A_4 {offsets = [0, 0, 0], sizes = [1, 96, 784], strides = [1, 1, 1]} : vector<4x96x784xf32> to vector<1x96x784xf32>
    %squeeze3A = vector.shape_cast %slice3A : vector<1x96x784xf32> to vector<96x784xf32>
    %slice3A_5 = vector.extract_strided_slice %get3A_4 {offsets = [1, 0, 0], sizes = [1, 96, 784], strides = [1, 1, 1]} : vector<4x96x784xf32> to vector<1x96x784xf32>
    %squeeze3A_6 = vector.shape_cast %slice3A_5 : vector<1x96x784xf32> to vector<96x784xf32>
    %slice3A_7 = vector.extract_strided_slice %get3A_4 {offsets = [2, 0, 0], sizes = [1, 96, 784], strides = [1, 1, 1]} : vector<4x96x784xf32> to vector<1x96x784xf32>
    %squeeze3A_8 = vector.shape_cast %slice3A_7 : vector<1x96x784xf32> to vector<96x784xf32>
    %slice3A_9 = vector.extract_strided_slice %get3A_4 {offsets = [3, 0, 0], sizes = [1, 96, 784], strides = [1, 1, 1]} : vector<4x96x784xf32> to vector<1x96x784xf32>
    %squeeze3A_10 = vector.shape_cast %slice3A_9 : vector<1x96x784xf32> to vector<96x784xf32>
    %iota3A = tpu.iota {dimensions = array<i32: 1>} : vector<96x784xi32>
    %jit3A = arith.constant 28 : i32
    %eq3A = arith.constant 0 : i32
    %eq3A_11 = arith.cmpi eq, %jit3A, %eq3A : i32
    %jit3A_12 = arith.constant 1 : i32
    %select_n3A = arith.select %eq3A_11, %jit3A_12, %jit3A : i32
    %rem3A = vector.broadcast %select_n3A : i32 to vector<96x784xi32>
    %rem3A_13 = arith.remsi %iota3A, %rem3A : vector<96x784xi32>
    %ne3A = arith.constant 0 : i32
    %ne3A_14 = vector.broadcast %ne3A : i32 to vector<96x784xi32>
    %ne3A_15 = arith.cmpi ne, %rem3A_13, %ne3A_14 : vector<96x784xi32>
    %lt3A = arith.constant 0 : i32
    %lt3A_16 = vector.broadcast %lt3A : i32 to vector<96x784xi32>
    %lt3A_17 = arith.cmpi slt, %rem3A_13, %lt3A_16 : vector<96x784xi32>
    %lt3A_18 = arith.constant 0 : i32
    %lt3A_19 = arith.cmpi slt, %select_n3A, %lt3A_18 : i32
    %ne3A_20 = vector.broadcast %lt3A_19 : i1 to vector<96x784xi1>
    %ne3A_21 = vector.broadcast %ne3A_20 : vector<96x784xi1> to vector<96x784xi1>
    %ne3A_22 = arith.xori %lt3A_17, %ne3A_21 : vector<96x784xi1>
    %and3A = arith.andi %ne3A_22, %ne3A_15 : vector<96x784xi1>
    %add3A = vector.broadcast %select_n3A : i32 to vector<96x784xi32>
    %add3A_23 = arith.addi %rem3A_13, %add3A : vector<96x784xi32>
    %select_n3A_24 = arith.select %and3A, %add3A_23, %rem3A_13 : vector<96x784xi1>, vector<96x784xi32>
    %ne3A_25 = arith.constant 0 : i32
    %ne3A_26 = vector.broadcast %ne3A_25 : i32 to vector<96x784xi32>
    %ne3A_27 = arith.cmpi ne, %select_n3A_24, %ne3A_26 : vector<96x784xi32>
    %broadcast_in_dim3A = arith.constant 0.000000e+00 : f32
    %broadcast_in_dim3A_28 = vector.broadcast %broadcast_in_dim3A : f32 to vector<96x28xf32>
    %slice3A_29 = vector.extract_strided_slice %squeeze3A_10 {offsets = [0, 0], sizes = [96, 756], strides = [1, 1]} : vector<96x784xf32> to vector<96x756xf32>
    %concatenate3A = tpu.concatenate %broadcast_in_dim3A_28, %slice3A_29 in 1 : vector<96x28xf32>, vector<96x756xf32> -> vector<96x784xf32>
    %broadcast_in_dim3A_30 = arith.constant 0.000000e+00 : f32
    %broadcast_in_dim3A_31 = vector.broadcast %broadcast_in_dim3A_30 : f32 to vector<96x1xf32>
    %slice3A_32 = vector.extract_strided_slice %concatenate3A {offsets = [0, 0], sizes = [96, 783], strides = [1, 1]} : vector<96x784xf32> to vector<96x783xf32>
    %concatenate3A_33 = tpu.concatenate %broadcast_in_dim3A_31, %slice3A_32 in 1 : vector<96x1xf32>, vector<96x783xf32> -> vector<96x784xf32>
    %jit3A_34 = arith.constant 0.000000e+00 : f32
    %broadcast_in_dim3A_35 = vector.broadcast %jit3A_34 : f32 to vector<96x784xf32>
    %select_n3A_36 = arith.select %ne3A_27, %concatenate3A_33, %broadcast_in_dim3A_35 : vector<96x784xi1>, vector<96x784xf32>
    %broadcast_in_dim3A_37 = arith.constant 0.000000e+00 : f32
    %broadcast_in_dim3A_38 = vector.broadcast %broadcast_in_dim3A_37 : f32 to vector<96x28xf32>
    %slice3A_39 = vector.extract_strided_slice %squeeze3A_8 {offsets = [0, 0], sizes = [96, 756], strides = [1, 1]} : vector<96x784xf32> to vector<96x756xf32>
    %concatenate3A_40 = tpu.concatenate %broadcast_in_dim3A_38, %slice3A_39 in 1 : vector<96x28xf32>, vector<96x756xf32> -> vector<96x784xf32>
    %broadcast_in_dim3A_41 = arith.constant 0.000000e+00 : f32
    %broadcast_in_dim3A_42 = vector.broadcast %broadcast_in_dim3A_41 : f32 to vector<96x28xf32>
    %slice3A_43 = vector.extract_strided_slice %squeeze3A_10 {offsets = [0, 0], sizes = [96, 756], strides = [1, 1]} : vector<96x784xf32> to vector<96x756xf32>
    %concatenate3A_44 = tpu.concatenate %broadcast_in_dim3A_42, %slice3A_43 in 1 : vector<96x28xf32>, vector<96x756xf32> -> vector<96x784xf32>
    %broadcast_in_dim3A_45 = arith.constant 0.000000e+00 : f32
    %broadcast_in_dim3A_46 = vector.broadcast %broadcast_in_dim3A_45 : f32 to vector<96x1xf32>
    %slice3A_47 = vector.extract_strided_slice %squeeze3A_6 {offsets = [0, 0], sizes = [96, 783], strides = [1, 1]} : vector<96x784xf32> to vector<96x783xf32>
    %concatenate3A_48 = tpu.concatenate %broadcast_in_dim3A_46, %slice3A_47 in 1 : vector<96x1xf32>, vector<96x783xf32> -> vector<96x784xf32>
    %jit3A_49 = arith.constant 0.000000e+00 : f32
    %broadcast_in_dim3A_50 = vector.broadcast %jit3A_49 : f32 to vector<96x784xf32>
    %select_n3A_51 = arith.select %ne3A_27, %concatenate3A_48, %broadcast_in_dim3A_50 : vector<96x784xi1>, vector<96x784xf32>
    %broadcast_in_dim3A_52 = arith.constant 0.000000e+00 : f32
    %broadcast_in_dim3A_53 = vector.broadcast %broadcast_in_dim3A_52 : f32 to vector<96x1xf32>
    %slice3A_54 = vector.extract_strided_slice %squeeze3A_10 {offsets = [0, 0], sizes = [96, 783], strides = [1, 1]} : vector<96x784xf32> to vector<96x783xf32>
    %concatenate3A_55 = tpu.concatenate %broadcast_in_dim3A_53, %slice3A_54 in 1 : vector<96x1xf32>, vector<96x783xf32> -> vector<96x784xf32>
    %jit3A_56 = arith.constant 0.000000e+00 : f32
    %broadcast_in_dim3A_57 = vector.broadcast %jit3A_56 : f32 to vector<96x784xf32>
    %select_n3A_58 = arith.select %ne3A_27, %concatenate3A_55, %broadcast_in_dim3A_57 : vector<96x784xi1>, vector<96x784xf32>
    %concatenate3A_59 = tpu.concatenate %select_n3A_36, %concatenate3A_40, %concatenate3A_44, %select_n3A_51, %squeeze3A, %squeeze3A_6, %select_n3A_58, %squeeze3A_8, %squeeze3A_10 in 0 : vector<96x784xf32>, vector<96x784xf32>, vector<96x784xf32>, vector<96x784xf32>, vector<96x784xf32>, vector<96x784xf32>, vector<96x784xf32>, vector<96x784xf32>, vector<96x784xf32> -> vector<864x784xf32>
    %add3A_60 = arith.addf %squeeze3A, %squeeze3A_6 : vector<96x784xf32>
    %add3A_61 = arith.addf %add3A_60, %squeeze3A_8 : vector<96x784xf32>
    %add3A_62 = arith.addf %add3A_61, %squeeze3A_10 : vector<96x784xf32>
    %reduce_sum3A = arith.constant dense<0.000000e+00> : vector<96xf32>
    %reduce_sum3A_63 = vector.multi_reduction <add>, %add3A_62, %reduce_sum3A [1] : vector<96x784xf32> to vector<96xf32>
    %broadcast_in_dim3A_64 = vector.shape_cast %reduce_sum3A_63 : vector<96xf32> to vector<96x1xf32>
    %mul3A = arith.constant 3.18877544E-4 : f32
    %mul3A_65 = vector.broadcast %mul3A : f32 to vector<96x1xf32>
    %mul3A_66 = arith.mulf %broadcast_in_dim3A_64, %mul3A_65 : vector<96x1xf32>
    %get3A_67 = arith.constant 0 : index
    %get3A_68 = arith.constant 0 : index
    %get3A_69 = vector.load %arg6[%get3A_67, %get3A_68] : memref<96x8xf32, #tpu.memory_space<vmem>>, vector<96x8xf32>
    %mul3A_70 = vector.broadcast %mul3A_66 : vector<96x1xf32> to vector<96x8xf32>
    %mul3A_71 = arith.mulf %mul3A_70, %get3A_69 : vector<96x8xf32>
    %reduce_sum3A_72 = arith.constant dense<0.000000e+00> : vector<8xf32>
    %reduce_sum3A_73 = vector.multi_reduction <add>, %mul3A_71, %reduce_sum3A_72 [0] : vector<96x8xf32> to vector<8xf32>
    %broadcast_in_dim3A_74 = vector.shape_cast %reduce_sum3A_73 : vector<8xf32> to vector<1x8xf32>
    %iota3A_75 = tpu.iota {dimensions = array<i32: 1>} : vector<1x8xi32>
    %reduce_max3A = arith.constant dense<0xFF800000> : vector<1xf32>
    %reduce_max3A_76 = vector.multi_reduction <maximumf>, %broadcast_in_dim3A_74, %reduce_max3A [1] : vector<1x8xf32> to vector<1xf32>
    %broadcast_in_dim3A_77 = vector.shape_cast %reduce_max3A_76 : vector<1xf32> to vector<1x1xf32>
    %eq3A_78 = vector.broadcast %broadcast_in_dim3A_77 : vector<1x1xf32> to vector<1x8xf32>
    %eq3A_79 = arith.cmpf oeq, %broadcast_in_dim3A_74, %eq3A_78 : vector<1x8xf32>
    %jit3A_80 = arith.constant 8 : i32
    %broadcast_in_dim3A_81 = vector.broadcast %jit3A_80 : i32 to vector<1x8xi32>
    %select_n3A_82 = arith.select %eq3A_79, %iota3A_75, %broadcast_in_dim3A_81 : vector<1x8xi1>, vector<1x8xi32>
    %reduce_min3A = arith.constant dense<2147483647> : vector<1xi32>
    %reduce_min3A_83 = vector.multi_reduction <minsi>, %select_n3A_82, %reduce_min3A [1] : vector<1x8xi32> to vector<1xi32>
    %broadcast_in_dim3A_84 = vector.shape_cast %reduce_min3A_83 : vector<1xi32> to vector<1x1xi32>
    %eq3A_85 = vector.broadcast %broadcast_in_dim3A_84 : vector<1x1xi32> to vector<1x8xi32>
    %eq3A_86 = arith.cmpi eq, %iota3A_75, %eq3A_85 : vector<1x8xi32>
    %jit3A_87 = arith.constant 0xFF800000 : f32
    %broadcast_in_dim3A_88 = vector.broadcast %jit3A_87 : f32 to vector<1x8xf32>
    %select_n3A_89 = arith.select %eq3A_86, %broadcast_in_dim3A_88, %broadcast_in_dim3A_74 : vector<1x8xi1>, vector<1x8xf32>
    %reduce_max3A_90 = arith.constant dense<0xFF800000> : vector<1xf32>
    %reduce_max3A_91 = vector.multi_reduction <maximumf>, %select_n3A_89, %reduce_max3A_90 [1] : vector<1x8xf32> to vector<1xf32>
    %broadcast_in_dim3A_92 = vector.shape_cast %reduce_max3A_91 : vector<1xf32> to vector<1x1xf32>
    %eq3A_93 = vector.broadcast %broadcast_in_dim3A_92 : vector<1x1xf32> to vector<1x8xf32>
    %eq3A_94 = arith.cmpf oeq, %select_n3A_89, %eq3A_93 : vector<1x8xf32>
    %jit3A_95 = arith.constant 8 : i32
    %broadcast_in_dim3A_96 = vector.broadcast %jit3A_95 : i32 to vector<1x8xi32>
    %select_n3A_97 = arith.select %eq3A_94, %iota3A_75, %broadcast_in_dim3A_96 : vector<1x8xi1>, vector<1x8xi32>
    %reduce_min3A_98 = arith.constant dense<2147483647> : vector<1xi32>
    %reduce_min3A_99 = vector.multi_reduction <minsi>, %select_n3A_97, %reduce_min3A_98 [1] : vector<1x8xi32> to vector<1xi32>
    %broadcast_in_dim3A_100 = vector.shape_cast %reduce_min3A_99 : vector<1xi32> to vector<1x1xi32>
    %sub3A = arith.subf %broadcast_in_dim3A_92, %broadcast_in_dim3A_77 : vector<1x1xf32>
    %exp3A = math.exp %sub3A : vector<1x1xf32>
    %add3A_101 = arith.constant 1.000000e+00 : f32
    %add3A_102 = vector.broadcast %add3A_101 : f32 to vector<1x1xf32>
    %add3A_103 = arith.addf %add3A_102, %exp3A : vector<1x1xf32>
    %div3A = arith.constant 1.000000e+00 : f32
    %div3A_104 = vector.broadcast %div3A : f32 to vector<1x1xf32>
    %div3A_105 = arith.divf %div3A_104, %add3A_103 : vector<1x1xf32>
    %add3A_106 = arith.constant 1.000000e+00 : f32
    %add3A_107 = vector.broadcast %add3A_106 : f32 to vector<1x1xf32>
    %add3A_108 = arith.addf %add3A_107, %exp3A : vector<1x1xf32>
    %div3A_109 = arith.divf %exp3A, %add3A_108 : vector<1x1xf32>
    %eq3A_110 = vector.broadcast %broadcast_in_dim3A_84 : vector<1x1xi32> to vector<1x8xi32>
    %eq3A_111 = arith.cmpi eq, %iota3A_75, %eq3A_110 : vector<1x8xi32>
    %jit3A_112 = arith.constant 0.000000e+00 : f32
    %broadcast_in_dim3A_113 = vector.shape_cast %div3A_105 : vector<1x1xf32> to vector<1x1xf32>
    %broadcast_in_dim3A_114 = vector.broadcast %broadcast_in_dim3A_113 : vector<1x1xf32> to vector<1x8xf32>
    %broadcast_in_dim3A_115 = vector.broadcast %jit3A_112 : f32 to vector<1x8xf32>
    %select_n3A_116 = arith.select %eq3A_111, %broadcast_in_dim3A_114, %broadcast_in_dim3A_115 : vector<1x8xi1>, vector<1x8xf32>
    %eq3A_117 = vector.broadcast %broadcast_in_dim3A_100 : vector<1x1xi32> to vector<1x8xi32>
    %eq3A_118 = arith.cmpi eq, %iota3A_75, %eq3A_117 : vector<1x8xi32>
    %jit3A_119 = arith.constant 0.000000e+00 : f32
    %broadcast_in_dim3A_120 = vector.shape_cast %div3A_109 : vector<1x1xf32> to vector<1x1xf32>
    %broadcast_in_dim3A_121 = vector.broadcast %broadcast_in_dim3A_120 : vector<1x1xf32> to vector<1x8xf32>
    %broadcast_in_dim3A_122 = vector.broadcast %jit3A_119 : f32 to vector<1x8xf32>
    %select_n3A_123 = arith.select %eq3A_118, %broadcast_in_dim3A_121, %broadcast_in_dim3A_122 : vector<1x8xi1>, vector<1x8xf32>
    %add3A_124 = arith.addf %select_n3A_116, %select_n3A_123 : vector<1x8xf32>
    %eq3A_125 = vector.broadcast %broadcast_in_dim3A_84 : vector<1x1xi32> to vector<1x8xi32>
    %eq3A_126 = arith.cmpi eq, %iota3A_75, %eq3A_125 : vector<1x8xi32>
    %convert_element_type3A = arith.extui %eq3A_126 : vector<1x8xi1> to vector<1x8xi32>
    %convert_element_type3A_127 = arith.sitofp %convert_element_type3A : vector<1x8xi32> to vector<1x8xf32>
    %eq3A_128 = vector.broadcast %broadcast_in_dim3A_100 : vector<1x1xi32> to vector<1x8xi32>
    %eq3A_129 = arith.cmpi eq, %iota3A_75, %eq3A_128 : vector<1x8xi32>
    %convert_element_type3A_130 = arith.extui %eq3A_129 : vector<1x8xi1> to vector<1x8xi32>
    %convert_element_type3A_131 = arith.sitofp %convert_element_type3A_130 : vector<1x8xi32> to vector<1x8xf32>
    %add3A_132 = arith.addf %convert_element_type3A_127, %convert_element_type3A_131 : vector<1x8xf32>
    %eq3A_133 = arith.constant 0 : i32
    %eq3A_134 = arith.cmpi eq, %arg0, %eq3A_133 : i32
    %convert_element_type3A_135 = arith.extui %eq3A_134 : i1 to i32
    %cond3A = arith.constant 0 : i32
    %cond3A_136 = arith.cmpi ne, %convert_element_type3A_135, %cond3A : i32
    scf.if %cond3A_136 {
      %broadcast_in_dim3A_327 = arith.constant 0.000000e+00 : f32
      %broadcast_in_dim3A_328 = vector.broadcast %broadcast_in_dim3A_327 : f32 to vector<2x8xf32>
      %swap3A_329 = arith.constant 0 : index
      %swap3A_330 = arith.constant 0 : index
      %swap3A_331 = vector.load %arg9[%swap3A_329, %swap3A_330] : memref<2x8xf32, #tpu.memory_space<vmem>>, vector<2x8xf32>
      tpu.vector_store %arg9[%swap3A_329, %swap3A_330], %broadcast_in_dim3A_328 {strides = array<i32>} : memref<2x8xf32, #tpu.memory_space<vmem>>, vector<2x8xf32>,
    } else {
    }
    %get3A_137 = arith.constant 0 : index
    %get3A_138 = arith.constant 0 : index
    %get3A_139 = vector.load %arg9[%get3A_137, %get3A_138] : memref<2x8xf32, #tpu.memory_space<vmem>>, vector<1x8xf32>
    %add3A_140 = arith.addf %get3A_139, %add3A_124 : vector<1x8xf32>
    %swap3A = arith.constant 0 : index
    %swap3A_141 = arith.constant 0 : index
    %swap3A_142 = vector.load %arg9[%swap3A, %swap3A_141] : memref<2x8xf32, #tpu.memory_space<vmem>>, vector<1x8xf32>
    tpu.vector_store %arg9[%swap3A, %swap3A_141], %add3A_140 {strides = array<i32>} : memref<2x8xf32, #tpu.memory_space<vmem>>, vector<1x8xf32>,
    %get3A_143 = arith.constant 1 : index
    %get3A_144 = arith.constant 0 : index
    %get3A_145 = vector.load %arg9[%get3A_143, %get3A_144] : memref<2x8xf32, #tpu.memory_space<vmem>>, vector<1x8xf32>
    %add3A_146 = arith.addf %get3A_145, %add3A_132 : vector<1x8xf32>
    %swap3A_147 = arith.constant 1 : index
    %swap3A_148 = arith.constant 0 : index
    %swap3A_149 = vector.load %arg9[%swap3A_147, %swap3A_148] : memref<2x8xf32, #tpu.memory_space<vmem>>, vector<1x8xf32>
    tpu.vector_store %arg9[%swap3A_147, %swap3A_148], %add3A_146 {strides = array<i32>} : memref<2x8xf32, #tpu.memory_space<vmem>>, vector<1x8xf32>,
    %eq3A_150 = arith.constant 31 : i32
    %eq3A_151 = arith.cmpi eq, %arg0, %eq3A_150 : i32
    %convert_element_type3A_152 = arith.extui %eq3A_151 : i1 to i32
    %cond3A_153 = arith.constant 0 : i32
    %cond3A_154 = arith.cmpi ne, %convert_element_type3A_152, %cond3A_153 : i32
    scf.if %cond3A_154 {
      %get3A_327 = arith.constant 0 : index
      %get3A_328 = arith.constant 0 : index
      %get3A_329 = vector.load %arg9[%get3A_327, %get3A_328] : memref<2x8xf32, #tpu.memory_space<vmem>>, vector<1x8xf32>
      %get3A_330 = arith.constant 1 : index
      %get3A_331 = arith.constant 0 : index
      %get3A_332 = vector.load %arg9[%get3A_330, %get3A_331] : memref<2x8xf32, #tpu.memory_space<vmem>>, vector<1x8xf32>
      %reduce_sum3A_333 = arith.constant dense<0.000000e+00> : vector<1xf32>
      %reduce_sum3A_334 = vector.multi_reduction <add>, %get3A_329, %reduce_sum3A_333 [1] : vector<1x8xf32> to vector<1xf32>
      %broadcast_in_dim3A_335 = vector.shape_cast %reduce_sum3A_334 : vector<1xf32> to vector<1x1xf32>
      %div3A_336 = arith.constant 8.000000e+00 : f32
      %div3A_337 = vector.broadcast %div3A_336 : f32 to vector<1x1xf32>
      %div3A_338 = arith.divf %broadcast_in_dim3A_335, %div3A_337 : vector<1x1xf32>
      %sub3A_339 = vector.broadcast %div3A_338 : vector<1x1xf32> to vector<1x8xf32>
      %sub3A_340 = arith.subf %get3A_329, %sub3A_339 : vector<1x8xf32>
      %integer_pow3A = arith.mulf %sub3A_340, %sub3A_340 : vector<1x8xf32>
      %reduce_sum3A_341 = arith.constant dense<0.000000e+00> : vector<1xf32>
      %reduce_sum3A_342 = vector.multi_reduction <add>, %integer_pow3A, %reduce_sum3A_341 [1] : vector<1x8xf32> to vector<1xf32>
      %broadcast_in_dim3A_343 = vector.shape_cast %reduce_sum3A_342 : vector<1xf32> to vector<1x1xf32>
      %div3A_344 = arith.constant 7.000000e+00 : f32
      %div3A_345 = vector.broadcast %div3A_344 : f32 to vector<1x1xf32>
      %div3A_346 = arith.divf %broadcast_in_dim3A_343, %div3A_345 : vector<1x1xf32>
      %mul3A_347 = arith.mulf %div3A_338, %div3A_338 : vector<1x1xf32>
      %add3A_348 = arith.constant 1.000000e-10 : f32
      %add3A_349 = vector.broadcast %add3A_348 : f32 to vector<1x1xf32>
      %add3A_350 = arith.addf %mul3A_347, %add3A_349 : vector<1x1xf32>
      %div3A_351 = arith.divf %div3A_346, %add3A_350 : vector<1x1xf32>
      %reduce_sum3A_352 = arith.constant dense<0.000000e+00> : vector<1xf32>
      %reduce_sum3A_353 = vector.multi_reduction <add>, %get3A_332, %reduce_sum3A_352 [1] : vector<1x8xf32> to vector<1xf32>
      %broadcast_in_dim3A_354 = vector.shape_cast %reduce_sum3A_353 : vector<1xf32> to vector<1x1xf32>
      %div3A_355 = arith.constant 8.000000e+00 : f32
      %div3A_356 = vector.broadcast %div3A_355 : f32 to vector<1x1xf32>
      %div3A_357 = arith.divf %broadcast_in_dim3A_354, %div3A_356 : vector<1x1xf32>
      %sub3A_358 = vector.broadcast %div3A_357 : vector<1x1xf32> to vector<1x8xf32>
      %sub3A_359 = arith.subf %get3A_332, %sub3A_358 : vector<1x8xf32>
      %integer_pow3A_360 = arith.mulf %sub3A_359, %sub3A_359 : vector<1x8xf32>
      %reduce_sum3A_361 = arith.constant dense<0.000000e+00> : vector<1xf32>
      %reduce_sum3A_362 = vector.multi_reduction <add>, %integer_pow3A_360, %reduce_sum3A_361 [1] : vector<1x8xf32> to vector<1xf32>
      %broadcast_in_dim3A_363 = vector.shape_cast %reduce_sum3A_362 : vector<1xf32> to vector<1x1xf32>
      %div3A_364 = arith.constant 7.000000e+00 : f32
      %div3A_365 = vector.broadcast %div3A_364 : f32 to vector<1x1xf32>
      %div3A_366 = arith.divf %broadcast_in_dim3A_363, %div3A_365 : vector<1x1xf32>
      %mul3A_367 = arith.mulf %div3A_357, %div3A_357 : vector<1x1xf32>
      %add3A_368 = arith.constant 1.000000e-10 : f32
      %add3A_369 = vector.broadcast %add3A_368 : f32 to vector<1x1xf32>
      %add3A_370 = arith.addf %mul3A_367, %add3A_369 : vector<1x1xf32>
      %div3A_371 = arith.divf %div3A_366, %add3A_370 : vector<1x1xf32>
      %add3A_372 = arith.addf %div3A_351, %div3A_371 : vector<1x1xf32>
      %mul3A_373 = arith.constant 0.00999999977 : f32
      %mul3A_374 = vector.broadcast %mul3A_373 : f32 to vector<1x1xf32>
      %mul3A_375 = arith.mulf %add3A_372, %mul3A_374 : vector<1x1xf32>
      %swap3A_376 = arith.constant 0 : index
      %swap3A_377 = arith.constant 0 : index
      %swap3A_378 = vector.load %arg8[%swap3A_376, %swap3A_377] : memref<1x1xf32, #tpu.memory_space<vmem>>, vector<1x1xf32>
      tpu.vector_store %arg8[%swap3A_376, %swap3A_377], %mul3A_375 {strides = array<i32>} : memref<1x1xf32, #tpu.memory_space<vmem>>, vector<1x1xf32>,
    } else {
    }
    %convert_element_type3A_155 = arith.truncf %concatenate3A_59 : vector<864x784xf32> to vector<864x784xbf16>
    %squeeze3A_156 = vector.extract %broadcast_in_dim3A_84[0, 0] : i32 from vector<1x1xi32>
    %squeeze3A_157 = vector.extract %broadcast_in_dim3A_100[0, 0] : i32 from vector<1x1xi32>
    %get3A_158 = arith.index_cast %squeeze3A_156 : i32 to index
    %get3A_159 = arith.constant 0 : index
    %get3A_160 = arith.constant 0 : index
    %get3A_161 = vector.load %arg2[%get3A_158, %get3A_159, %get3A_160] : memref<9x192x864xbf16, #tpu.memory_space<vmem>>, vector<1x192x864xbf16>
    %squeeze3A_162 = vector.shape_cast %get3A_161 : vector<1x192x864xbf16> to vector<192x864xbf16>
    %dot_general3A = arith.constant dense<0.000000e+00> : vector<192x784xf32>
    %dot_general3A_163 = tpu.matmul %squeeze3A_162, %convert_element_type3A_155, %dot_general3A {dimension_numbers = #tpu.dot_dimension_numbers<[1], [0], [0], [1], [0, 0, 1, 1], [], []>, transpose_lhs_hint = false} : vector<192x864xbf16>, vector<864x784xbf16>, vector<192x784xf32> -> vector<192x784xf32>
    %get3A_164 = arith.index_cast %squeeze3A_156 : i32 to index
    %get3A_165 = arith.constant 0 : index
    %get3A_166 = arith.constant 0 : index
    %get3A_167 = vector.load %arg3[%get3A_164, %get3A_165, %get3A_166] : memref<9x192x128xf32, #tpu.memory_space<vmem>>, vector<1x192x128xf32>
    %squeeze3A_168 = vector.shape_cast %get3A_167 : vector<1x192x128xf32> to vector<192x128xf32>
    %slice3A_169 = vector.extract_strided_slice %squeeze3A_168 {offsets = [0, 0], sizes = [192, 1], strides = [1, 1]} : vector<192x128xf32> to vector<192x1xf32>
    %add3A_170 = vector.broadcast %slice3A_169 : vector<192x1xf32> to vector<192x784xf32>
    %add3A_171 = arith.addf %dot_general3A_163, %add3A_170 : vector<192x784xf32>
    %reduce_sum3A_172 = arith.constant dense<0.000000e+00> : vector<784xf32>
    %reduce_sum3A_173 = vector.multi_reduction <add>, %add3A_171, %reduce_sum3A_172 [0] : vector<192x784xf32> to vector<784xf32>
    %broadcast_in_dim3A_174 = vector.shape_cast %reduce_sum3A_173 : vector<784xf32> to vector<1x784xf32>
    %div3A_175 = arith.constant 1.920000e+02 : f32
    %div3A_176 = vector.broadcast %div3A_175 : f32 to vector<1x784xf32>
    %div3A_177 = arith.divf %broadcast_in_dim3A_174, %div3A_176 : vector<1x784xf32>
    %sub3A_178 = vector.broadcast %div3A_177 : vector<1x784xf32> to vector<192x784xf32>
    %sub3A_179 = arith.subf %add3A_171, %sub3A_178 : vector<192x784xf32>
    %mul3A_180 = arith.mulf %sub3A_179, %sub3A_179 : vector<192x784xf32>
    %reduce_sum3A_181 = arith.constant dense<0.000000e+00> : vector<784xf32>
    %reduce_sum3A_182 = vector.multi_reduction <add>, %mul3A_180, %reduce_sum3A_181 [0] : vector<192x784xf32> to vector<784xf32>
    %broadcast_in_dim3A_183 = vector.shape_cast %reduce_sum3A_182 : vector<784xf32> to vector<1x784xf32>
    %div3A_184 = arith.constant 1.920000e+02 : f32
    %div3A_185 = vector.broadcast %div3A_184 : f32 to vector<1x784xf32>
    %div3A_186 = arith.divf %broadcast_in_dim3A_183, %div3A_185 : vector<1x784xf32>
    %add3A_187 = arith.constant 9.99999997E-7 : f32
    %add3A_188 = vector.broadcast %add3A_187 : f32 to vector<1x784xf32>
    %add3A_189 = arith.addf %div3A_186, %add3A_188 : vector<1x784xf32>
    %rsqrt3A = math.rsqrt %add3A_189 : vector<1x784xf32>
    %mul3A_190 = vector.broadcast %rsqrt3A : vector<1x784xf32> to vector<192x784xf32>
    %mul3A_191 = arith.mulf %sub3A_179, %mul3A_190 : vector<192x784xf32>
    %get3A_192 = arith.index_cast %squeeze3A_156 : i32 to index
    %get3A_193 = arith.constant 0 : index
    %get3A_194 = arith.constant 0 : index
    %get3A_195 = vector.load %arg4[%get3A_192, %get3A_193, %get3A_194] : memref<9x192x128xf32, #tpu.memory_space<vmem>>, vector<1x192x128xf32>
    %squeeze3A_196 = vector.shape_cast %get3A_195 : vector<1x192x128xf32> to vector<192x128xf32>
    %slice3A_197 = vector.extract_strided_slice %squeeze3A_196 {offsets = [0, 0], sizes = [192, 1], strides = [1, 1]} : vector<192x128xf32> to vector<192x1xf32>
    %mul3A_198 = vector.broadcast %slice3A_197 : vector<192x1xf32> to vector<192x784xf32>
    %mul3A_199 = arith.mulf %mul3A_198, %mul3A_191 : vector<192x784xf32>
    %get3A_200 = arith.index_cast %squeeze3A_156 : i32 to index
    %get3A_201 = arith.constant 0 : index
    %get3A_202 = arith.constant 0 : index
    %get3A_203 = vector.load %arg5[%get3A_200, %get3A_201, %get3A_202] : memref<9x192x128xf32, #tpu.memory_space<vmem>>, vector<1x192x128xf32>
    %squeeze3A_204 = vector.shape_cast %get3A_203 : vector<1x192x128xf32> to vector<192x128xf32>
    %slice3A_205 = vector.extract_strided_slice %squeeze3A_204 {offsets = [0, 0], sizes = [192, 1], strides = [1, 1]} : vector<192x128xf32> to vector<192x1xf32>
    %add3A_206 = vector.broadcast %slice3A_205 : vector<192x1xf32> to vector<192x784xf32>
    %add3A_207 = arith.addf %mul3A_199, %add3A_206 : vector<192x784xf32>
    %mul3A_208 = vector.broadcast %div3A_105 : vector<1x1xf32> to vector<192x784xf32>
    %mul3A_209 = arith.mulf %mul3A_208, %add3A_207 : vector<192x784xf32>
    %get3A_210 = arith.index_cast %squeeze3A_157 : i32 to index
    %get3A_211 = arith.constant 0 : index
    %get3A_212 = arith.constant 0 : index
    %get3A_213 = vector.load %arg2[%get3A_210, %get3A_211, %get3A_212] : memref<9x192x864xbf16, #tpu.memory_space<vmem>>, vector<1x192x864xbf16>
    %squeeze3A_214 = vector.shape_cast %get3A_213 : vector<1x192x864xbf16> to vector<192x864xbf16>
    %dot_general3A_215 = arith.constant dense<0.000000e+00> : vector<192x784xf32>
    %dot_general3A_216 = tpu.matmul %squeeze3A_214, %convert_element_type3A_155, %dot_general3A_215 {dimension_numbers = #tpu.dot_dimension_numbers<[1], [0], [0], [1], [0, 0, 1, 1], [], []>, transpose_lhs_hint = false} : vector<192x864xbf16>, vector<864x784xbf16>, vector<192x784xf32> -> vector<192x784xf32>
    %get3A_217 = arith.index_cast %squeeze3A_157 : i32 to index
    %get3A_218 = arith.constant 0 : index
    %get3A_219 = arith.constant 0 : index
    %get3A_220 = vector.load %arg3[%get3A_217, %get3A_218, %get3A_219] : memref<9x192x128xf32, #tpu.memory_space<vmem>>, vector<1x192x128xf32>
    %squeeze3A_221 = vector.shape_cast %get3A_220 : vector<1x192x128xf32> to vector<192x128xf32>
    %slice3A_222 = vector.extract_strided_slice %squeeze3A_221 {offsets = [0, 0], sizes = [192, 1], strides = [1, 1]} : vector<192x128xf32> to vector<192x1xf32>
    %add3A_223 = vector.broadcast %slice3A_222 : vector<192x1xf32> to vector<192x784xf32>
    %add3A_224 = arith.addf %dot_general3A_216, %add3A_223 : vector<192x784xf32>
    %reduce_sum3A_225 = arith.constant dense<0.000000e+00> : vector<784xf32>
    %reduce_sum3A_226 = vector.multi_reduction <add>, %add3A_224, %reduce_sum3A_225 [0] : vector<192x784xf32> to vector<784xf32>
    %broadcast_in_dim3A_227 = vector.shape_cast %reduce_sum3A_226 : vector<784xf32> to vector<1x784xf32>
    %div3A_228 = arith.constant 1.920000e+02 : f32
    %div3A_229 = vector.broadcast %div3A_228 : f32 to vector<1x784xf32>
    %div3A_230 = arith.divf %broadcast_in_dim3A_227, %div3A_229 : vector<1x784xf32>
    %sub3A_231 = vector.broadcast %div3A_230 : vector<1x784xf32> to vector<192x784xf32>
    %sub3A_232 = arith.subf %add3A_224, %sub3A_231 : vector<192x784xf32>
    %mul3A_233 = arith.mulf %sub3A_232, %sub3A_232 : vector<192x784xf32>
    %reduce_sum3A_234 = arith.constant dense<0.000000e+00> : vector<784xf32>
    %reduce_sum3A_235 = vector.multi_reduction <add>, %mul3A_233, %reduce_sum3A_234 [0] : vector<192x784xf32> to vector<784xf32>
    %broadcast_in_dim3A_236 = vector.shape_cast %reduce_sum3A_235 : vector<784xf32> to vector<1x784xf32>
    %div3A_237 = arith.constant 1.920000e+02 : f32
    %div3A_238 = vector.broadcast %div3A_237 : f32 to vector<1x784xf32>
    %div3A_239 = arith.divf %broadcast_in_dim3A_236, %div3A_238 : vector<1x784xf32>
    %add3A_240 = arith.constant 9.99999997E-7 : f32
    %add3A_241 = vector.broadcast %add3A_240 : f32 to vector<1x784xf32>
    %add3A_242 = arith.addf %div3A_239, %add3A_241 : vector<1x784xf32>
    %rsqrt3A_243 = math.rsqrt %add3A_242 : vector<1x784xf32>
    %mul3A_244 = vector.broadcast %rsqrt3A_243 : vector<1x784xf32> to vector<192x784xf32>
    %mul3A_245 = arith.mulf %sub3A_232, %mul3A_244 : vector<192x784xf32>
    %get3A_246 = arith.index_cast %squeeze3A_157 : i32 to index
    %get3A_247 = arith.constant 0 : index
    %get3A_248 = arith.constant 0 : index
    %get3A_249 = vector.load %arg4[%get3A_246, %get3A_247, %get3A_248] : memref<9x192x128xf32, #tpu.memory_space<vmem>>, vector<1x192x128xf32>
    %squeeze3A_250 = vector.shape_cast %get3A_249 : vector<1x192x128xf32> to vector<192x128xf32>
    %slice3A_251 = vector.extract_strided_slice %squeeze3A_250 {offsets = [0, 0], sizes = [192, 1], strides = [1, 1]} : vector<192x128xf32> to vector<192x1xf32>
    %mul3A_252 = vector.broadcast %slice3A_251 : vector<192x1xf32> to vector<192x784xf32>
    %mul3A_253 = arith.mulf %mul3A_252, %mul3A_245 : vector<192x784xf32>
    %get3A_254 = arith.index_cast %squeeze3A_157 : i32 to index
    %get3A_255 = arith.constant 0 : index
    %get3A_256 = arith.constant 0 : index
    %get3A_257 = vector.load %arg5[%get3A_254, %get3A_255, %get3A_256] : memref<9x192x128xf32, #tpu.memory_space<vmem>>, vector<1x192x128xf32>
    %squeeze3A_258 = vector.shape_cast %get3A_257 : vector<1x192x128xf32> to vector<192x128xf32>
    %slice3A_259 = vector.extract_strided_slice %squeeze3A_258 {offsets = [0, 0], sizes = [192, 1], strides = [1, 1]} : vector<192x128xf32> to vector<192x1xf32>
    %add3A_260 = vector.broadcast %slice3A_259 : vector<192x1xf32> to vector<192x784xf32>
    %add3A_261 = arith.addf %mul3A_253, %add3A_260 : vector<192x784xf32>
    %mul3A_262 = vector.broadcast %div3A_109 : vector<1x1xf32> to vector<192x784xf32>
    %mul3A_263 = arith.mulf %mul3A_262, %add3A_261 : vector<192x784xf32>
    %add3A_264 = arith.addf %mul3A_209, %mul3A_263 : vector<192x784xf32>
    %get3A_265 = arith.constant 8 : index
    %get3A_266 = arith.constant 0 : index
    %get3A_267 = arith.constant 0 : index
    %get3A_268 = vector.load %arg2[%get3A_265, %get3A_266, %get3A_267] : memref<9x192x864xbf16, #tpu.memory_space<vmem>>, vector<1x192x864xbf16>
    %squeeze3A_269 = vector.shape_cast %get3A_268 : vector<1x192x864xbf16> to vector<192x864xbf16>
    %dot_general3A_270 = arith.constant dense<0.000000e+00> : vector<192x784xf32>
    %dot_general3A_271 = tpu.matmul %squeeze3A_269, %convert_element_type3A_155, %dot_general3A_270 {dimension_numbers = #tpu.dot_dimension_numbers<[1], [0], [0], [1], [0, 0, 1, 1], [], []>, transpose_lhs_hint = false} : vector<192x864xbf16>, vector<864x784xbf16>, vector<192x784xf32> -> vector<192x784xf32>
    %get3A_272 = arith.constant 8 : index
    %get3A_273 = arith.constant 0 : index
    %get3A_274 = arith.constant 0 : index
    %get3A_275 = vector.load %arg3[%get3A_272, %get3A_273, %get3A_274] : memref<9x192x128xf32, #tpu.memory_space<vmem>>, vector<1x192x128xf32>
    %squeeze3A_276 = vector.shape_cast %get3A_275 : vector<1x192x128xf32> to vector<192x128xf32>
    %slice3A_277 = vector.extract_strided_slice %squeeze3A_276 {offsets = [0, 0], sizes = [192, 1], strides = [1, 1]} : vector<192x128xf32> to vector<192x1xf32>
    %add3A_278 = vector.broadcast %slice3A_277 : vector<192x1xf32> to vector<192x784xf32>
    %add3A_279 = arith.addf %dot_general3A_271, %add3A_278 : vector<192x784xf32>
    %reduce_sum3A_280 = arith.constant dense<0.000000e+00> : vector<784xf32>
    %reduce_sum3A_281 = vector.multi_reduction <add>, %add3A_279, %reduce_sum3A_280 [0] : vector<192x784xf32> to vector<784xf32>
    %broadcast_in_dim3A_282 = vector.shape_cast %reduce_sum3A_281 : vector<784xf32> to vector<1x784xf32>
    %div3A_283 = arith.constant 1.920000e+02 : f32
    %div3A_284 = vector.broadcast %div3A_283 : f32 to vector<1x784xf32>
    %div3A_285 = arith.divf %broadcast_in_dim3A_282, %div3A_284 : vector<1x784xf32>
    %sub3A_286 = vector.broadcast %div3A_285 : vector<1x784xf32> to vector<192x784xf32>
    %sub3A_287 = arith.subf %add3A_279, %sub3A_286 : vector<192x784xf32>
    %mul3A_288 = arith.mulf %sub3A_287, %sub3A_287 : vector<192x784xf32>
    %reduce_sum3A_289 = arith.constant dense<0.000000e+00> : vector<784xf32>
    %reduce_sum3A_290 = vector.multi_reduction <add>, %mul3A_288, %reduce_sum3A_289 [0] : vector<192x784xf32> to vector<784xf32>
    %broadcast_in_dim3A_291 = vector.shape_cast %reduce_sum3A_290 : vector<784xf32> to vector<1x784xf32>
    %div3A_292 = arith.constant 1.920000e+02 : f32
    %div3A_293 = vector.broadcast %div3A_292 : f32 to vector<1x784xf32>
    %div3A_294 = arith.divf %broadcast_in_dim3A_291, %div3A_293 : vector<1x784xf32>
    %add3A_295 = arith.constant 9.99999997E-7 : f32
    %add3A_296 = vector.broadcast %add3A_295 : f32 to vector<1x784xf32>
    %add3A_297 = arith.addf %div3A_294, %add3A_296 : vector<1x784xf32>
    %rsqrt3A_298 = math.rsqrt %add3A_297 : vector<1x784xf32>
    %mul3A_299 = vector.broadcast %rsqrt3A_298 : vector<1x784xf32> to vector<192x784xf32>
    %mul3A_300 = arith.mulf %sub3A_287, %mul3A_299 : vector<192x784xf32>
    %get3A_301 = arith.constant 8 : index
    %get3A_302 = arith.constant 0 : index
    %get3A_303 = arith.constant 0 : index
    %get3A_304 = vector.load %arg4[%get3A_301, %get3A_302, %get3A_303] : memref<9x192x128xf32, #tpu.memory_space<vmem>>, vector<1x192x128xf32>
    %squeeze3A_305 = vector.shape_cast %get3A_304 : vector<1x192x128xf32> to vector<192x128xf32>
    %slice3A_306 = vector.extract_strided_slice %squeeze3A_305 {offsets = [0, 0], sizes = [192, 1], strides = [1, 1]} : vector<192x128xf32> to vector<192x1xf32>
    %mul3A_307 = vector.broadcast %slice3A_306 : vector<192x1xf32> to vector<192x784xf32>
    %mul3A_308 = arith.mulf %mul3A_307, %mul3A_300 : vector<192x784xf32>
    %get3A_309 = arith.constant 8 : index
    %get3A_310 = arith.constant 0 : index
    %get3A_311 = arith.constant 0 : index
    %get3A_312 = vector.load %arg5[%get3A_309, %get3A_310, %get3A_311] : memref<9x192x128xf32, #tpu.memory_space<vmem>>, vector<1x192x128xf32>
    %squeeze3A_313 = vector.shape_cast %get3A_312 : vector<1x192x128xf32> to vector<192x128xf32>
    %slice3A_314 = vector.extract_strided_slice %squeeze3A_313 {offsets = [0, 0], sizes = [192, 1], strides = [1, 1]} : vector<192x128xf32> to vector<192x1xf32>
    %add3A_315 = vector.broadcast %slice3A_314 : vector<192x1xf32> to vector<192x784xf32>
    %add3A_316 = arith.addf %mul3A_308, %add3A_315 : vector<192x784xf32>
    %mul3A_317 = arith.constant 1.000000e+00 : f32
    %mul3A_318 = vector.broadcast %mul3A_317 : f32 to vector<192x784xf32>
    %mul3A_319 = arith.mulf %mul3A_318, %add3A_316 : vector<192x784xf32>
    %add3A_320 = arith.addf %add3A_264, %mul3A_319 : vector<192x784xf32>
    %swap3A_321 = arith.constant 0 : index
    %swap3A_322 = arith.constant 0 : index
    %swap3A_323 = arith.constant 0 : index
    %swap3A_324 = vector.load %arg7[%swap3A_321, %swap3A_322, %swap3A_323] : memref<1x192x784xf32, #tpu.memory_space<vmem>>, vector<1x192x784xf32>
    %swap3A_325 = vector.shape_cast %swap3A_324 : vector<1x192x784xf32> to vector<192x784xf32>
    %swap3A_326 = vector.shape_cast %add3A_320 : vector<192x784xf32> to vector<1x192x784xf32>
    tpu.vector_store %arg7[%swap3A_321, %swap3A_322, %swap3A_323], %swap3A_326 {strides = array<i32>} : memref<1x192x784xf32, #tpu.memory_space<vmem>>, vector<1x192x784xf32>,
    return
  }
  func.func @transform_0(%arg0: i32) -> (i32, i32, i32, i32) {
    %c0_i32 = arith.constant 0 : i32
    %c0_i32_0 = arith.constant 0 : i32
    %c0_i32_1 = arith.constant 0 : i32
    %c0_i32_2 = arith.constant 0 : i32
    return %arg0, %c0_i32, %c0_i32_0, %c0_i32_1 : i32, i32, i32, i32
  }
  func.func @transform_1(%arg0: i32) -> (i32, i32, i32) {
    %c0_i32 = arith.constant 0 : i32
    %c0_i32_0 = arith.constant 0 : i32
    %c0_i32_1 = arith.constant 0 : i32
    %c0_i32_2 = arith.constant 0 : i32
    return %c0_i32, %c0_i32_0, %c0_i32_1 : i32, i32, i32
  }
  func.func @transform_2(%arg0: i32) -> (i32, i32, i32) {
    %c0_i32 = arith.constant 0 : i32
    %c0_i32_0 = arith.constant 0 : i32
    %c0_i32_1 = arith.constant 0 : i32
    %c0_i32_2 = arith.constant 0 : i32
    return %c0_i32, %c0_i32_0, %c0_i32_1 : i32, i32, i32
  }
  func.func @transform_3(%arg0: i32) -> (i32, i32, i32) {
    %c0_i32 = arith.constant 0 : i32
    %c0_i32_0 = arith.constant 0 : i32
    %c0_i32_1 = arith.constant 0 : i32
    %c0_i32_2 = arith.constant 0 : i32
    return %c0_i32, %c0_i32_0, %c0_i32_1 : i32, i32, i32
  }
  func.func @transform_4(%arg0: i32) -> (i32, i32, i32) {
    %c0_i32 = arith.constant 0 : i32
    %c0_i32_0 = arith.constant 0 : i32
    %c0_i32_1 = arith.constant 0 : i32
    %c0_i32_2 = arith.constant 0 : i32
    return %c0_i32, %c0_i32_0, %c0_i32_1 : i32, i32, i32
  }
  func.func @transform_5(%arg0: i32) -> (i32, i32) {
    %c0_i32 = arith.constant 0 : i32
    %c0_i32_0 = arith.constant 0 : i32
    %c0_i32_1 = arith.constant 0 : i32
    return %c0_i32, %c0_i32_0 : i32, i32
  }
  func.func @transform_6(%arg0: i32) -> (i32, i32, i32) {
    %c0_i32 = arith.constant 0 : i32
    %c0_i32_0 = arith.constant 0 : i32
    %c0_i32_1 = arith.constant 0 : i32
    return %arg0, %c0_i32, %c0_i32_0 : i32, i32, i32
  }
  func.func @transform_7(%arg0: i32) -> (i32, i32) {
    %c0_i32 = arith.constant 0 : i32
    %c0_i32_0 = arith.constant 0 : i32
    %c0_i32_1 = arith.constant 0 : i32
    return %c0_i32, %c0_i32_0 : i32, i32
  }
}

</mosaic_0001>

<sc_bundles>
// kernel: sparse-core-data-format-call.cloned.1.call-start
scs
called_computation_lowered:
.L_overlay_start_0:
0x0: {  	s2 =	sld [smem:$0x3FD9]  }
0x1: {  	s3 =	sld [smem:$0x3FFE];
	_ =	sdelay $0x1  }
0x2: {  	s1 =	srdreg.scid  }
0x3: {  	s0 =	sand.u32 $0x1, s1  }
0x4: {  	s18 =	sshll.u32 s0, $0xA;
	s2 =	sadd.s32 s3, s2  }
0x5: {  	s2 =	sadd.s32 s2, s18  }
0x6: {  	[smem:$0x3FBE] =	sst s2  }
0x7: {  	_ = 	snop  }
0x8: {  	s2 =	sld [smem:$0x3FC9];
	(tm) =	ssettm $0x1  }
0x9: {  	s19 =	sld [smem:$0x3FFB];
	_ =	sdelay $0x3  }
0xa: {  	_ =	strace s19  }
0xb: {  	s3 =	sld [smem:$0x3FFC];
	_ =	sdelay $0x3  }
0xc: {  	_ =	strace s3  }
0xd: {  	s3 =	sld [smem:$0x3FFD];
	_ =	sdelay $0x3  }
0xe: {  	_ =	strace s3  }
0xf: {  	_ =	strace $0x8FFFFFFF  }
0x10: {  	s20 =	sld [smem:$0x3FDB];
	_ =	sdelay $0x1  }
0x11: {  	s4 =	simm.s32 $_scs_section_size  }
0x12: {  	s5 =	simm.s32 $_size__tile_overlayer_lowered;
	s6 =	simm.s32 $_tile_overlayer_lowered  }
0x13: {  	s23 =	simm.s32 $0x1BFF;
	s22 =	sshll.u32 s6, $0x1;
	s3 =	sadd.s32 s4, s20  }
0x14: {  	s7 =	simm.s32 $0x0;
	s21 =	sshll.u32 s5, $0x1;
	s5 =	sadd.s32 s22, s3  }
0x15: {  	[timem:s7], [sflag:s23] =	dma.local [hbm:s5], s21  }
0x16: {  	_ =	swait.ge [sflag:s23], s21  }
0x17: {  	s4 =	ssub.s32 $0x0, s21;
	[sflag:s23] =	ssyncset.done $0x0  }
0x18: {  	[sflag:s23] =	ssyncadd.s32 s4;
	_ =	sdelay $0x1  }
0x19: {  	s24 =	simm.s32 $0x1B8B  }
0x1a: {  	_ =	swait.ge [sflag:s24], $0x1  }
0x1b: {  	[sflag:s24] =	ssyncset.done $0x0  }
0x1c: {  	s26 =	simm.s32 $0x1B8E;
	s25 =	sld [smem:$0x3FFE];
	[sflag:s24] =	ssyncadd.s32 $0xFFFFFFFF  }
0x1d: {  	s27 =	simm.s32 $execute0_lowered;
	[smem:$0x3FD2] =	sst s26  }
0x1e: {  	s5 =	sshll.u32 s27, $0x1;
	_ =	strace $0x80000046;
	[dreg:$0x1] =	wrdreg $0xFFFFFFFF  }
0x1f: {  	s28 =	simm.s32 $_size_execute0_lowered;
	s3 =	sadd.s32 s3, s5;
	[dreg:$0x0] =	wrdreg $0x0  }
0x20: {  	s5 =	sshll.u32 s28, $0x1;
	[dreg:$0x2] =	wrdreg s3  }
0x21: {  	[dreg:$0x3] =	wrdreg s5  }
0x22: {  	[dreg:$0x4] =	wrdreg $0xC0  }
0x23: {  	_ =	task [dreg:s7], $0x5FFFF  }
0x24: {  	[dreg:$0x1] =	wrdreg $0xFFFFFFFF  }
0x25: {  	[dreg:$0x0] =	wrdreg $0x60  }
0x26: {  	[dreg:$0x2] =	wrdreg s2  }
0x27: {  	[dreg:$0x3] =	wrdreg s25  }
0x28: {  	[dreg:$0x4] =	wrdreg $0x9  }
0x29: {  	_ =	task.clear_ibuf [dreg:s7], $0x5FFFF;
	_ =	strace $0x90000046  }
0x2a: {  	s29 =	simm.s32 $0x9;
	_ =	strace $0x80000048  }
0x2b: {  	_ =	swait.ge [sflag:s29], $0x1  }
0x2c: {  	[sflag:s29] =	ssyncadd.s32 $0xFFFFFFFF  }
0x2d: {  	_ =	strace $0x90000048  }
0x2e: {  	_ =	sfence  }
0x2f: {  	s30 =	sld [smem:$0x0];
	_ =	sdelay $0x2  }
0x30: {  	s31 =	sshll.u32 s1, $0xD;
	s1 =	sshrl.u32 s1, $0x2  }
0x31: {  	s3 =	sand.u32 $0x4000, s31;
	s1 =	sadd.s32 s1, s30  }
0x32: {  	s0 =	sor.u32 s3, s0;
	s1 =	sshll.u32 s1, $0x11  }
0x33: {  	s0 =	sor.u32 s1, s0  }
0x34: {  	s0 =	sadd.s32 $0x8F2B, s0  }
0x35: {  	[sflag:s0] =	ssyncadd.remote.s32 $0x1  }
0x36: {  	_ =	sfence.sel $0xFFFF  }
0x37: {  	[dreg:$0x0] =	wrdreg $0xFFFFFFFF;
	(pc) =	sbr.abs _section_cstart, $3  }
0x38: {  	[dreg:$0x1] =	wrdreg $0xFFFFFFFF  }
0x39: {  	_ =	task.clear_ibuf [dreg:s7], $0x2FFFF;
	_ =	strace $0x9FFFFFFF  }
0x3a: {  	(tm) =	ssettm $0x7FFFFFFF  }
0x3b: {  	_ =	shalt  }
tec
execute0_lowered:
.L_overlay_start_1:
0x0: {  	(tag) =	ssettag $0x1  }
0x1: {  	s0 =	srdreg.scid;
	s3 =	rddreg [dreg:$0x0]  }
0x2: {  	s6 =	rddreg [dreg:$0x1];
	s7 =	simm.s32 $0x2;
	s2 =	sand.u32 $0x1, s0  }
0x3: {  	s15 =	simm.s32 $0x0;
	s0 =	stileid.u32;
	s1 =	ssub.s32 $0x2, s2  }
0x4: {  	s8 =	simm.s32 $0x2000;
	s4 =	ssub.s32 $0x2B, s0;
	s5 =	sshrl.u32 s1, $0x1  }
0x5: {  	s9 =	simm.s32 $0x310000;
	s4 =	sshrl.u32 s4, $0x4;
	s1 =	ssub.s32 s1, s5  }
0x6: {  	s16 =	simm.s32 $0x0;
	s17 =	simm.s32 $0x0;
	s5 =	smul.u32 s1, s4  }
.Ltmp0:
0x7: {  	s18 =	simm.s32 $0x0;
	s10 =	simm.s32 $0x0;
	(pc) =	sbr.rel .LBB1_1-.Ltmp0, $4  }
0x8: {  	s12 =	stileid.u32;
	s13 =	simm.s32 $0x0;
	s1 =	rddreg [dreg:$0x2]  }
0x9: {  	_ =	strace $0x80000047;
	s4 =	simm.s32 $0x1;
	s5 =	smul.u32 $0xE, s5  }
0xa: {  	s14 =	simm.s32 $0x0;
	s6 =	sadd.s32 $0x1800, s6;
	[sflag:s4] =	ssyncpa.u1 $0x0  }
0xb: {  	s11 =	smov.u32 s2;
	[sflag:s7] =	ssyncpa.u1 $0x0;
	s7 =	sor.u32 $0x1, s5  }
.LBB1_9:
0xc: {  	s19 =	sadd.s32 $0x2, s10  }
0xd: {  	s15 =	sadd.s32 $0x2, s11;
	s20 =	smov.u32 s11;
	p1 =	sgt.s32 s19, $0x1B  }
0xe: {  	s20 =	smov.u32 @p1 s15  }
0xf: {  	s21 =	smov.u32 s12;
	s15 =	sadd.s32 $0x10, s12;
	p2 =	sgt.s32 s20, $0x1  }
0x10: {  	s21 =	smov.u32 @p2 s15  }
0x11: {  	s22 =	smov.u32 s13;
	s15 =	sadd.s32 $0x20, s13;
	p3 =	sgt.s32 s21, $0x1B  }
0x12: {  	s22 =	smov.u32 @p3 s15  }
0x13: {  	p0 =	slt.u32 s14, $0x2;
	s19 =	simm.s32 @p1 $0x0;
	p1 =	sgt.s32 s22, $0x1F  }
0x14: {  	s23 =	simm.s32 @!p0 $0x2;
	s22 =	simm.s32 @p1 $0x0;
	p1 =	sne.s32 s14, s7  }
.Ltmp1:
0x15: {  	s16 =	smov.u32 s11;
	_ =	swait.ge @!p0 [sflag:s23], $0x4000;
	(pc) =	sbr.rel @!p1 .LBB1_10-.Ltmp1, $4  }
0x16: {  	s17 =	smov.u32 s12;
	[sflag:s23] =	ssyncset.done @!p0 $0x0;
	s20 =	smov.u32 @p2 s2  }
0x17: {  	s18 =	smov.u32 s13;
	[sflag:s23] =	ssyncadd.s32 @!p0 $0xFFFFC000;
	s11 =	smov.u32 s20  }
0x18: {  	s21 =	smov.u32 @p3 s0;
	s15 =	smov.u32 s10;
	s10 =	smov.u32 s19  }
0x19: {  	s12 =	smov.u32 s21;
	s14 =	sadd.s32 $0x1, s14;
	s13 =	smov.u32 s22  }
.LBB1_1:
0x1a: {  	p0 =	sge.u32 s14, s5  }
0x1b: {  	s19 =	smul.u32 @!p0 $0xC400, s13  }
0x1c: {  	s20 =	smul.u32 @!p0 $0x700, s12  }
0x1d: {  	s21 =	sxor.u32 @!p0 $0xFFFFFFFF, s14;
	s22 =	smul.u32 @!p0 $0x380, s11;
	s19 =	sadd.s32 @!p0 s3, s19  }
0x1e: {  	s31 =	sadd.s32 $0xFFFFFFFF, s14;
	s21 =	sshll.u32 @!p0 s21, $0xE;
	s19 =	sadd.s32 @!p0 s20, s19  }
0x1f: {  	s20 =	sand.u32 @!p0 $0x4000, s21;
	s21 =	sshll.u32 @!p0 s10, $0x5;
	s19 =	sadd.s32 @!p0 s22, s19  }
0x20: {  	s22 =	simm.s32 @!p0 $0x62000;
	s19 =	sadd.s32 @!p0 s21, s19;
	s21 =	simm.s32 @!p0 $0x200  }
0x21: {  	[tilespmem:s20], [sflag:$0x1] =	stream.strided.gather @!p0 [hbm4b:s19+s21], $0x4000, s22, s21, $0x38;
	[tilespmem:$0x10000] =	vst v63  }
0x22: {  	p0 =	sge.u32 s31, s5  }
.Ltmp2:
0x23: {  	_ = 	snop;
	(pc) =	sbr.rel @p0 .LBB1_9-.Ltmp2, $1  }
0x24: {  	_ =	sdelay $0x3  }
0x25: {  	_ =	swait.ge [sflag:s4], $0x4000;
	s19 =	sshll.u32 s14, $0xE  }
0x26: {  	[sflag:s4] =	ssyncset.done $0x0;
	s20 =	sand.u32 $0x4000, s19  }
0x27: {  	s21 =	simm.s32 $0x0;
	[sflag:s4] =	ssyncadd.s32 $0xFFFFC000;
	s19 =	sor.u32 $0x8000, s20  }
.LBB1_3:
0x28: {  	s22 =	sshll.u32 s21, $0x9;
	s23 =	sshll.u32 s21, $0x7  }
0x29: {  	p1 =	por $0x1, $0x1;
	s22 =	sand.u32 $0x3FFFFE00, s22;
	s23 =	sand.u32 $0x3FFFFF80, s23  }
0x2a: {  	s24 =	simm.s32 $0x0;
	s22 =	sadd.s32 s22, s20;
	s23 =	sadd.s32 s23, s19  }
.LBB1_4:
0x2b: {  	s25 =	sshll.u32 s24, $0x8  }
0x2c: {  	s25 =	sand.u32 $0x3FFFFF00, s25  }
0x2d: {  	s31 =	sshll.u32 s24, $0xC;
	s25 =	sadd.s32 s25, s22  }
0x2e: {  	s24 =	sand.u32 $0x3FFFF000, s31;
	v0 =	vmov s25  }
0x2f: {  	s26 =	sadd.s32 s24, s23  }
0x30: {  	p0 =	por p1, p1;
	p1 =	por $0x1, $0x1;
	s24 =	simm.s32 $0x0;
	v1 =	vmov s26  }
.LBB1_5:
0x31: {  	s25 =	sshll.u32 s24, $0x7  }
0x32: {  	s25 =	sand.u32 $0x3FFFFF80, s25  }
0x33: {  	v2 =	vld.idx.msk [tilespmem:v0+s25+$0x0 ss:$0x1], $0xffff  }
0x34: {  	v3 =	vld.idx.msk [tilespmem:v0+s25+$0x10 ss:$0x1], $0xffff  }
0x35: {  	v4 =	vld.idx.msk [tilespmem:v0+s25+$0x20 ss:$0x1], $0xffff  }
0x36: {  	s31 =	sshll.u32 s24, $0xD;
	v5 =	vld.idx.msk [tilespmem:v0+s25+$0x30 ss:$0x1], $0xffff  }
0x37: {  	s24 =	sand.u32 $0x3FFFE000, s31;
	v6 =	vld.idx.msk [tilespmem:v0+s25+$0x40 ss:$0x1], $0xffff  }
0x38: {  	v63 =	vld.idx.msk [tilespmem:v0+s25+$0x70 ss:$0x1], $0xffff;
	[tilespmem:v1+s24+$0x0 ss:$0x1] =	vst.idx.msk $0xffff, v2  }
0x39: {  	v2 =	vld.idx.msk [tilespmem:v0+s25+$0x50 ss:$0x1], $0xffff;
	[tilespmem:v1+s24+$0x10 ss:$0x1] =	vst.idx.msk $0xffff, v3  }
0x3a: {  	p2 =	por p1, p1;
	v3 =	vld.idx.msk [tilespmem:v0+s25+$0x60 ss:$0x1], $0xffff;
	[tilespmem:v1+s24+$0x20 ss:$0x1] =	vst.idx.msk $0xffff, v4  }
.Ltmp3:
0x3b: {  	[tilespmem:v1+s24+$0x30 ss:$0x1] =	vst.idx.msk $0xffff, v5;
	(pc) =	sbr.rel @p2 .LBB1_5-.Ltmp3, $4  }
0x3c: {  	[tilespmem:v1+s24+$0x40 ss:$0x1] =	vst.idx.msk $0xffff, v6  }
0x3d: {  	[tilespmem:v1+s24+$0x70 ss:$0x1] =	vst.idx.msk $0xffff, v63  }
0x3e: {  	[tilespmem:v1+s24+$0x50 ss:$0x1] =	vst.idx.msk $0xffff, v2  }
0x3f: {  	p1 =	por $0x0, $0x0;
	[tilespmem:v1+s24+$0x60 ss:$0x1] =	vst.idx.msk $0xffff, v3;
	s24 =	simm.s32 $0x1  }
.Ltmp4:
0x40: {  	(pc) =	sbr.rel @p0 .LBB1_4-.Ltmp4, $2  }
0x41: {  	_ =	sdelay $0x2  }
0x42: {  	s24 =	simm.s32 $0x1;
	p1 =	por $0x0, $0x0  }
0x43: {  	s21 =	sadd.s32 $0x1, s21  }
0x44: {  	p0 =	sne.s32 s21, $0x20  }
.Ltmp5:
0x45: {  	_ = 	snop;
	(pc) =	sbr.rel @p0 .LBB1_3-.Ltmp5, $1  }
0x46: {  	_ =	sdelay $0x3  }
0x47: {  	s17 =	smul.u32 $0x3800, s17  }
0x48: {  	s18 =	sshll.u32 s18, $0x4;
	s16 =	smul.u32 $0xC4000, s16  }
.Ltmp6:
0x49: {  	s18 =	sand.u32 $0x1F0, s18;
	s17 =	sadd.s32 s6, s17;
	(pc) =	sbr.rel .LBB1_9-.Ltmp6, $4  }
0x4a: {  	s17 =	sadd.s32 s18, s17  }
0x4b: {  	s15 =	sshll.u32 s15, $0x9;
	s16 =	sadd.s32 s16, s17  }
0x4c: {  	s15 =	sadd.s32 s15, s16  }
0x4d: {  	[hbm4b:s15+s8] =	stream.strided.scatter [tilespmem:s19], [sflag:$0x2], $0x4000, s9, s8, $0x38;
	[tilespmem:$0x10000] =	vst v63  }
.LBB1_10:
0x4e: {  	_ =	sfence.sel $0x180000  }
0x4f: {  	s2 =	simm.s32 $0x1;
	[bflag:$0x0] =	sbarrier.arrive $0xFFFF  }
0x50: {  	s31 =	simm.s32 $0x2;
	[sflag:s2] =	ssyncpa.u1 $0x1  }
0x51: {  	[sflag:s31] =	ssyncpa.u1 $0x1  }
0x52: {  	p0 =	sne.s32 s0, $0x0;
	_ =	strace $0x90000047  }
0x53: {  	s0 =	sadd.s32 @!p0 $0x100000, s1;
	[bflag:$0x2] =	sbarrier.arrive $0xFFFF  }
0x54: {  	[sflag:s0] =	ssyncadd.tile.s32 @!p0 $0x1;
	_ =	shalt  }
.Lfunc_end1:
_tile_overlayer_lowered:
.L_overlay_start_2:
0x55: {  	(tag) =	ssettag $0x2  }
0x56: {  	s0 =	rddreg [dreg:$0x0];
	s2 =	stileid.u32  }
0x57: {  	s1 =	rddreg [dreg:$0x1];
	p0 =	sne.s32 s2, $0x0  }
0x58: {  	s3 =	rddreg [dreg:$0x2];
	[bflag:$0x3] =	sbarrier.arrive $0xFFFF;
	s2 =	simm.s32 @!p0 $0x1C01  }
0x59: {  	[timem:s3], [sflag:s2] =	dma.local @!p0 [hbm:s0], s1  }
0x5a: {  	s0 =	simm.s32 @!p0 $0x1  }
0x5b: {  	_ =	swait.ge @!p0 [sflag:s0], s1  }
0x5c: {  	s1 =	ssub.s32 @!p0 $0x0, s1;
	[sflag:s0] =	ssyncset.done @!p0 $0x0  }
0x5d: {  	[sflag:s0] =	ssyncadd.s32 @!p0 s1  }
0x5e: {  	[bflag:$0x3] =	sbarrier.arrive $0xFFFF  }
0x5f: {  	_ =	shalt  }

</sc_bundles>
